<compile_context>
chip_gen: v7x
topology: tpu7x:2x2x1
jax: 0.10.2.dev20260603
libtpu: 0.0.44.dev20260713+nightly
codegen_flags: <defaults>
</compile_context>

<pallas_src>
import functools

import jax
import jax.numpy as jnp
from jax import lax
from jax.experimental import pallas as pl
from jax.experimental.pallas import tpu as pltpu
from jax.experimental.pallas import tpu_sc as plsc

B, S, H = 1, 2048, 768
E, K, FF = 8, 2, 3072
T = B * S
BM = 128
BMLOG = BM.bit_length() - 1
NBLK = (T * K + E * (BM - 1) + BM - 1) // BM
P_PAD = NBLK * BM
LANES = 128
NW = 32
TPW = T // NW
CHUNK = 256
NEG = -1e30


def _router_body(x_ref, wr_ref, sel_ref, ew_ref, wexp_ref, dest_ref,
                 counts_ref, loss_ref):
    x = x_ref[...]
    logits = jnp.dot(x, wr_ref[...], preferred_element_type=jnp.float32)
    lane = lax.broadcasted_iota(jnp.int32, (T, LANES), 1)
    ok = lane < E
    lg = jnp.where(ok, logits, NEG)
    m = jnp.max(lg, axis=1, keepdims=True)
    p = jnp.exp(lg - m)
    p0 = jnp.max(p, axis=1, keepdims=True)
    e0 = jnp.min(jnp.where(p == p0, lane, LANES), axis=1, keepdims=True)
    pm = jnp.where(lane == e0, -1.0, p)
    pm = jnp.where(ok, pm, -1.0)
    p1 = jnp.max(pm, axis=1, keepdims=True)
    e1 = jnp.min(jnp.where(pm == p1, lane, LANES), axis=1, keepdims=True)
    denom = p0 + p1
    w0 = p0 / denom
    w1 = p1 / denom
    zl = jnp.sum(m + jnp.log(jnp.sum(p, axis=1, keepdims=True))) / T
    oh0 = jnp.where(lane == e0, 1.0, 0.0)
    oh1 = jnp.where(lane == e1, 1.0, 0.0)
    ohsum = oh0 + oh1
    r_iota = lax.broadcasted_iota(jnp.int32, (CHUNK, CHUNK), 0)
    c_iota = lax.broadcasted_iota(jnp.int32, (CHUNK, CHUNK), 1)
    tril = jnp.where(r_iota > c_iota, 1.0, 0.0)
    base = jnp.zeros((1, LANES), jnp.float32)
    cum_parts = []
    for c in range(T // CHUNK):
        oc = lax.slice(ohsum, (c * CHUNK, 0), ((c + 1) * CHUNK, LANES))
        cum_parts.append(jnp.dot(tril, oc, preferred_element_type=jnp.float32)
                         + base)
        base = base + jnp.sum(oc, axis=0, keepdims=True)
    cum = jnp.concatenate(cum_parts, axis=0)
    counts = base
    ci = counts.astype(jnp.int32)
    pad_count = ((ci + (BM - 1)) >> BMLOG) << BMLOG
    l_r = lax.broadcasted_iota(jnp.int32, (LANES, LANES), 0)
    l_c = lax.broadcasted_iota(jnp.int32, (LANES, LANES), 1)
    ltri = jnp.where(l_r < l_c, 1.0, 0.0)
    pad_start = jnp.dot(pad_count.astype(jnp.float32), ltri,
                        preferred_element_type=jnp.float32)
    d0 = jnp.sum(oh0 * (pad_start + cum), axis=1, keepdims=True)
    d1 = jnp.sum(oh1 * (pad_start + cum), axis=1, keepdims=True)
    load = counts / (T * K)
    dev = jnp.where(ok[:1, :], (load - 1.0 / E) ** 2, 0.0)
    aux = jnp.sum(dev) / E
    sel_ref[...] = jnp.concatenate([e0, e1], axis=1)
    ew_ref[...] = jnp.concatenate([w0, w1], axis=1)
    wexp_ref[...] = jnp.concatenate([jnp.broadcast_to(w0, (T, 16)),
                                     jnp.broadcast_to(w1, (T, 16))], axis=1)
    dest_ref[...] = jnp.concatenate([d0.astype(jnp.int32),
                                     d1.astype(jnp.int32)], axis=1)
    counts_ref[...] = counts
    loss_ref[...] = jnp.full((1, 1), 0.0) + 0.01 * aux + 0.001 * zl


def _router(x, wr_pad):
    return pl.pallas_call(
        _router_body,
        out_shape=[
            jax.ShapeDtypeStruct((T, 2), jnp.int32),
            jax.ShapeDtypeStruct((T, 2), jnp.float32),
            jax.ShapeDtypeStruct((T, 32), jnp.float32),
            jax.ShapeDtypeStruct((T, 2), jnp.int32),
            jax.ShapeDtypeStruct((1, LANES), jnp.float32),
            jax.ShapeDtypeStruct((1, 1), jnp.float32),
        ],
    )(x, wr_pad)


def _dispatch_body(x_hbm, destT_hbm, xs_hbm, idx_v, rows_v, sem):
    wid = lax.axis_index("s") * 2 + lax.axis_index("c")
    base = wid * TPW
    pltpu.sync_copy(x_hbm.at[pl.ds(base, TPW)], rows_v)
    pltpu.sync_copy(destT_hbm.at[0, pl.ds(base, TPW)], idx_v)
    pltpu.async_copy(rows_v, xs_hbm.at[idx_v], sem).wait()
    pltpu.sync_copy(destT_hbm.at[1, pl.ds(base, TPW)], idx_v)
    pltpu.async_copy(rows_v, xs_hbm.at[idx_v], sem).wait()


@jax.jit
def _dispatch(x, destT):
    mesh = plsc.VectorSubcoreMesh(core_axis_name="c", subcore_axis_name="s")
    return pl.kernel(
        _dispatch_body,
        mesh=mesh,
        out_type=jax.ShapeDtypeStruct((P_PAD, H), jnp.float32),
        scratch_types=[
            pltpu.VMEM((TPW,), jnp.int32),
            pltpu.VMEM((TPW, H), jnp.float32),
            pltpu.SemaphoreType.DMA,
        ],
    )(x, destT)


def _ffn_body(be_ref, isf_ref, slt_ref, nxe_ref, hnx_ref,
              xs_ref, w1_hbm, b1_ref, w2_hbm, b2_ref, out_ref,
              w1s_ref, w2s_ref, w1b_ref, w2b_ref, sems):
    i = pl.program_id(0)
    first = isf_ref[i] == 1
    s = slt_ref[i]
    hn = hnx_ref[i] == 1
    ne = nxe_ref[i]

    @pl.when(i == 0)
    def _prime():
        pltpu.make_async_copy(w1_hbm.at[be_ref[0]], w1s_ref.at[0], sems.at[0]).start()
        pltpu.make_async_copy(w2_hbm.at[be_ref[0]], w2s_ref.at[0], sems.at[1]).start()

    @pl.when(first & (s == 0))
    def _wait0():
        pltpu.make_async_copy(w1_hbm.at[be_ref[i]], w1s_ref.at[0], sems.at[0]).wait()
        pltpu.make_async_copy(w2_hbm.at[be_ref[i]], w2s_ref.at[0], sems.at[1]).wait()

    @pl.when(first & (s == 1))
    def _wait1():
        pltpu.make_async_copy(w1_hbm.at[be_ref[i]], w1s_ref.at[1], sems.at[2]).wait()
        pltpu.make_async_copy(w2_hbm.at[be_ref[i]], w2s_ref.at[1], sems.at[3]).wait()

    @pl.when(first & hn & (s == 0))
    def _pref1():
        pltpu.make_async_copy(w1_hbm.at[ne], w1s_ref.at[1], sems.at[2]).start()
        pltpu.make_async_copy(w2_hbm.at[ne], w2s_ref.at[1], sems.at[3]).start()

    @pl.when(first & hn & (s == 1))
    def _pref0():
        pltpu.make_async_copy(w1_hbm.at[ne], w1s_ref.at[0], sems.at[0]).start()
        pltpu.make_async_copy(w2_hbm.at[ne], w2s_ref.at[0], sems.at[1]).start()

    @pl.when(first & (s == 0))
    def _cast0():
        w1b_ref[...] = w1s_ref[0].astype(jnp.bfloat16)
        w2b_ref[...] = w2s_ref[0].astype(jnp.bfloat16)

    @pl.when(first & (s == 1))
    def _cast1():
        w1b_ref[...] = w1s_ref[1].astype(jnp.bfloat16)
        w2b_ref[...] = w2s_ref[1].astype(jnp.bfloat16)

    xb = xs_ref[...].astype(jnp.bfloat16)
    h1 = jnp.dot(xb, w1b_ref[...], preferred_element_type=jnp.float32)
    h1 = h1 + b1_ref[0]
    hmid = h1 * 0.5 * (1.0 + lax.erf(h1 * 0.7071067811865476))
    y = jnp.dot(hmid.astype(jnp.bfloat16), w2b_ref[...],
                preferred_element_type=jnp.float32)
    out_ref[...] = y + b2_ref[0]


def _ffn(be, isf, slt, nxe, hnx, xs, W1, b1, W2, b2):
    grid_spec = pltpu.PrefetchScalarGridSpec(
        num_scalar_prefetch=5,
        grid=(NBLK,),
        in_specs=[
            pl.BlockSpec((BM, H), lambda i, *_: (i, 0)),
            pl.BlockSpec(memory_space=pl.ANY),
            pl.BlockSpec((1, 1, FF), lambda i, be, *_: (be[i], 0, 0)),
            pl.BlockSpec(memory_space=pl.ANY),
            pl.BlockSpec((1, 1, H), lambda i, be, *_: (be[i], 0, 0)),
        ],
        out_specs=pl.BlockSpec((BM, H), lambda i, *_: (i, 0)),
        scratch_shapes=[
            pltpu.VMEM((2, H, FF), jnp.float32),
            pltpu.VMEM((2, FF, H), jnp.float32),
            pltpu.VMEM((H, FF), jnp.bfloat16),
            pltpu.VMEM((FF, H), jnp.bfloat16),
            pltpu.SemaphoreType.DMA((4,)),
        ],
    )
    return pl.pallas_call(
        _ffn_body,
        grid_spec=grid_spec,
        out_shape=jax.ShapeDtypeStruct((P_PAD, H), jnp.float32),
    )(be, isf, slt, nxe, hnx,
      xs, W1, b1.reshape(E, 1, FF), W2, b2.reshape(E, 1, H))


def _combine_body(ys_hbm, destT_hbm, wexp_hbm, out_hbm,
                  idx_v, w_v, rows0_v, rows1_v, sem):
    wid = lax.axis_index("s") * 2 + lax.axis_index("c")
    base = wid * TPW
    pltpu.sync_copy(destT_hbm.at[0, pl.ds(base, TPW)], idx_v)
    pltpu.async_copy(ys_hbm.at[idx_v], rows0_v, sem).wait()
    pltpu.sync_copy(destT_hbm.at[1, pl.ds(base, TPW)], idx_v)
    pltpu.async_copy(ys_hbm.at[idx_v], rows1_v, sem).wait()
    pltpu.sync_copy(wexp_hbm.at[pl.ds(base, TPW)], w_v)

    def tok(j, _):
        wv0 = w_v[j, pl.ds(0, 16)]
        wv1 = w_v[j, pl.ds(16, 16)]
        for c in range(H // 16):
            sl = pl.ds(c * 16, 16)
            v = rows0_v[j, sl] * wv0 + rows1_v[j, sl] * wv1
            rows0_v[j, sl] = v
        return 0

    lax.fori_loop(0, TPW, tok, 0)
    pltpu.sync_copy(rows0_v, out_hbm.at[pl.ds(base, TPW)])


@jax.jit
def _combine(ys, destT, wexp):
    mesh = plsc.VectorSubcoreMesh(core_axis_name="c", subcore_axis_name="s")
    return pl.kernel(
        _combine_body,
        mesh=mesh,
        out_type=jax.ShapeDtypeStruct((T, H), jnp.float32),
        scratch_types=[
            pltpu.VMEM((TPW,), jnp.int32),
            pltpu.VMEM((TPW, 32), jnp.float32),
            pltpu.VMEM((TPW, H), jnp.float32),
            pltpu.VMEM((TPW, H), jnp.float32),
            pltpu.SemaphoreType.DMA,
        ],
    )(ys, destT, wexp)


def kernel(hidden_states, Wr, W1, b1, W2, b2):
    x = hidden_states.reshape(T, H)
    wr_pad = jnp.zeros((H, LANES), jnp.float32).at[:, :E].set(Wr)
    sel, ew, wexp, dest, counts, loss = _router(x, wr_pad)
    cnt = counts[0, :E].astype(jnp.int32)
    pad_count = ((cnt + (BM - 1)) // BM) * BM
    pad_start = jnp.cumsum(pad_count) - pad_count
    blk = jnp.arange(NBLK, dtype=jnp.int32) * BM
    block_expert = jnp.sum(blk[:, None] >= pad_start[None, :],
                           axis=1).astype(jnp.int32) - 1
    block_expert = jnp.clip(block_expert, 0, E - 1)
    be = block_expert
    isf = jnp.concatenate([jnp.ones((1,), jnp.int32),
                           (be[1:] != be[:-1]).astype(jnp.int32)])
    seg = jnp.cumsum(isf) - 1
    slt = (seg % 2).astype(jnp.int32)
    seg_expert = jnp.zeros((NBLK,), jnp.int32).at[seg].set(be)
    nxe = seg_expert[jnp.minimum(seg + 1, NBLK - 1)]
    hnx = (seg < seg[-1]).astype(jnp.int32)
    destT = dest.T
    xs = _dispatch(x, destT)
    ys = _ffn(be, isf, slt, nxe, hnx, xs, W1, b1, W2, b2)
    out = _combine(ys, destT, wexp)
    return (out.reshape(B, S, H), sel, ew, loss[0, 0])

# --- scband reference (transcript-rebuilt; emitter-appended) ---
"""Pipeline reference for scband-mo-elayer-45956150067562 (READ-ONLY COPY).

The authoritative reference and input builder live on the scoring server;
editing this copy changes nothing except your own understanding.
"""

import jax, jax.numpy as jnp
import numpy as np

B, S, H = 1, 2048, 768
E, K, FF = 8, 2, 3072


def setup_inputs(seed: int = 0) -> dict:
    key = jax.random.key(seed)
    ks = jax.random.split(key, 5)
    hidden_states = jax.random.normal(ks[0], (B, S, H), dtype=jnp.float32)
    Wr = jax.random.normal(ks[1], (H, E), dtype=jnp.float32) * 0.02
    W1 = jax.random.normal(ks[2], (E, H, FF), dtype=jnp.float32) * 0.02
    b1 = jnp.zeros((E, FF), dtype=jnp.float32)
    W2 = jax.random.normal(ks[3], (E, FF, H), dtype=jnp.float32) * 0.02
    b2 = jnp.zeros((E, H), dtype=jnp.float32)
    return {"hidden_states": hidden_states, "Wr": Wr, "W1": W1, "b1": b1, "W2": W2, "b2": b2}


def reference(hidden_states, Wr, W1, b1, W2, b2):
    b, s, h = hidden_states.shape
    x = hidden_states.reshape(-1, h)
    T = x.shape[0]
    num_experts = Wr.shape[1]
    # ---- TopKRouter ----
    router_logits = x @ Wr                              # [T, E]
    routing_probs = jax.nn.softmax(router_logits, axis=-1)
    expert_weights, selected_experts = jax.lax.top_k(routing_probs, K)  # [T, K]
    expert_weights = expert_weights / jnp.sum(expert_weights, axis=-1, keepdims=True)
    # ---- ExpertPool.forward_all (dense compute, top-k combine) ----
    tok_idx = jnp.broadcast_to(jnp.arange(T)[:, None], (T, K))
    combine = jnp.zeros((T, num_experts), dtype=x.dtype).at[tok_idx, selected_experts].add(expert_weights)  # [T, E]
    hmid = jax.nn.gelu(jnp.einsum('th,ehf->etf', x, W1) + b1[:, None, :], approximate=False)  # [E, T, FF]
    y = jnp.einsum('etf,efh->eth', hmid, W2) + b2[:, None, :]                                  # [E, T, H]
    expert_outputs = jnp.einsum('eth,te->th', y, combine)                                      # [T, H]
    # ---- auxiliary load-balancing loss ----
    counts = jnp.bincount(selected_experts.reshape(-1), length=num_experts).astype(jnp.float32)
    expert_load = counts / (T * K)
    target_load = jnp.ones_like(expert_load) / num_experts
    aux_loss = jnp.mean((expert_load - target_load) ** 2)
    # ---- router z-loss ----
    z_loss = jnp.mean(jax.nn.logsumexp(router_logits, axis=-1))
    total_loss = 0.01 * aux_loss + 0.001 * z_loss
    output = expert_outputs.reshape(b, s, h)
    return (output, selected_experts, expert_weights, total_loss)

if __name__ == "__main__":
    import jax
    _d = setup_inputs()
    print(jax.jit(kernel)(*tuple(_d.values())))

</pallas_src>

<mosaic_0001>
#map = affine_map<(d0, d1) -> (0, 0)>
module attributes {stable_mosaic.version = 14 : i64} {
  func.func @_dispatch_body(%arg0: i32, %arg1: i32, %arg2: memref<2048x768xf32, #tpu.memory_space<hbm>>, %arg3: memref<2x2048xi32, #tpu.memory_space<hbm>>, %arg4: memref<5120x768xf32, #tpu.memory_space<hbm>>, %arg5: memref<64xi32, #tpu.memory_space<vmem>>, %arg6: memref<64x768xf32, #tpu.memory_space<vmem>>, %arg7: memref<!tpu.dma_semaphore, #tpu.memory_space<semaphore_mem>>) attributes {dimension_semantics = [#tpu.dimension_semantics<core_parallel>, #tpu.dimension_semantics<subcore_parallel>], iteration_bounds = array<i64: 2, 16>, scalar_prefetch = 0 : i64, scratch_operands = 3 : i64, tpu.core_type = #tpu.core_type<sc_vector_subcore>, window_params = [{transform_indices = #map}, {transform_indices = #map}, {transform_indices = #map}]} {
    %mul3A = arith.constant 2 : i32
    %mul3A_0 = arith.muli %arg1, %mul3A : i32
    %add3A = arith.addi %mul3A_0, %arg0 : i32
    %mul3A_1 = arith.constant 64 : i32
    %mul3A_2 = arith.muli %add3A, %mul3A_1 : i32
    "tpu.region"() ({
      %run_scoped3A_14 = tpu.sem_alloc : memref<!tpu.dma_semaphore, #tpu.memory_space<semaphore_mem>>
      %dma_start3A_15 = arith.constant 0 : i32
      %dma_start3A_16 = tpu.memref_slice %arg2[%mul3A_2, %dma_start3A_15] : memref<2048x768xf32, #tpu.memory_space<hbm>> -> memref<64x768xf32, #tpu.memory_space<hbm>>
      %dma_start3A_17 = arith.constant 0 : i32
      %dma_start3A_18 = tpu.memref_slice %arg2[%mul3A_2, %dma_start3A_17] : memref<2048x768xf32, #tpu.memory_space<hbm>> -> memref<64x768xf32, #tpu.memory_space<hbm>>
      tpu.enqueue_dma source(%dma_start3A_18 : memref<64x768xf32, #tpu.memory_space<hbm>>) target(%arg6 : memref<64x768xf32, #tpu.memory_space<vmem>>) target_semaphore(%run_scoped3A_14 : memref<!tpu.dma_semaphore, #tpu.memory_space<semaphore_mem>>)
      %dma_wait3A_19 = arith.constant 0 : i32
      %dma_wait3A_20 = tpu.memref_slice %arg2[%mul3A_2, %dma_wait3A_19] : memref<2048x768xf32, #tpu.memory_space<hbm>> -> memref<64x768xf32, #tpu.memory_space<hbm>>
      %dma_wait3A_21 = arith.constant 0 : i32
      %dma_wait3A_22 = tpu.memref_slice %arg2[%mul3A_2, %dma_wait3A_21] : memref<2048x768xf32, #tpu.memory_space<hbm>> -> memref<64x768xf32, #tpu.memory_space<hbm>>
      tpu.wait_dma2 semaphore(%run_scoped3A_14 : memref<!tpu.dma_semaphore, #tpu.memory_space<semaphore_mem>>) src(%dma_wait3A_22 : memref<64x768xf32, #tpu.memory_space<hbm>>) dst(%arg6 : memref<64x768xf32, #tpu.memory_space<vmem>>)
      tpu.yield
    }) : () -> ()
    %run_scoped3A = arith.constant 0 : i32
    "tpu.region"() ({
      %run_scoped3A_14 = tpu.sem_alloc : memref<!tpu.dma_semaphore, #tpu.memory_space<semaphore_mem>>
      %dma_start3A_15 = tpu.memref_slice %arg3[%run_scoped3A, %mul3A_2] : memref<2x2048xi32, #tpu.memory_space<hbm>> -> memref<1x64xi32, #tpu.memory_space<hbm>>
      %dma_start3A_16 = tpu.memref_squeeze %dma_start3A_15 : memref<1x64xi32, #tpu.memory_space<hbm>> -> memref<64xi32, #tpu.memory_space<hbm>>
      %dma_start3A_17 = tpu.memref_slice %arg3[%run_scoped3A, %mul3A_2] : memref<2x2048xi32, #tpu.memory_space<hbm>> -> memref<1x64xi32, #tpu.memory_space<hbm>>
      %dma_start3A_18 = tpu.memref_squeeze %dma_start3A_17 : memref<1x64xi32, #tpu.memory_space<hbm>> -> memref<64xi32, #tpu.memory_space<hbm>>
      tpu.enqueue_dma source(%dma_start3A_18 : memref<64xi32, #tpu.memory_space<hbm>>) target(%arg5 : memref<64xi32, #tpu.memory_space<vmem>>) target_semaphore(%run_scoped3A_14 : memref<!tpu.dma_semaphore, #tpu.memory_space<semaphore_mem>>)
      %dma_wait3A_19 = tpu.memref_slice %arg3[%run_scoped3A, %mul3A_2] : memref<2x2048xi32, #tpu.memory_space<hbm>> -> memref<1x64xi32, #tpu.memory_space<hbm>>
      %dma_wait3A_20 = tpu.memref_squeeze %dma_wait3A_19 : memref<1x64xi32, #tpu.memory_space<hbm>> -> memref<64xi32, #tpu.memory_space<hbm>>
      %dma_wait3A_21 = tpu.memref_slice %arg3[%run_scoped3A, %mul3A_2] : memref<2x2048xi32, #tpu.memory_space<hbm>> -> memref<1x64xi32, #tpu.memory_space<hbm>>
      %dma_wait3A_22 = tpu.memref_squeeze %dma_wait3A_21 : memref<1x64xi32, #tpu.memory_space<hbm>> -> memref<64xi32, #tpu.memory_space<hbm>>
      tpu.wait_dma2 semaphore(%run_scoped3A_14 : memref<!tpu.dma_semaphore, #tpu.memory_space<semaphore_mem>>) src(%dma_wait3A_22 : memref<64xi32, #tpu.memory_space<hbm>>) dst(%arg5 : memref<64xi32, #tpu.memory_space<vmem>>)
      tpu.yield
    }) : () -> ()
    %dma_start3A = arith.constant 0 : i32
    %dma_start3A_3 = arith.constant 0 : i32
    %dma_start3A_4 = tpu.memref_slice %arg4[%dma_start3A, %dma_start3A_3] : memref<5120x768xf32, #tpu.memory_space<hbm>> -> memref<5120x768xf32, #tpu.memory_space<hbm>>
    tpu.enqueue_indirect_dma source(%arg6 : memref<64x768xf32, #tpu.memory_space<vmem>>) target(%dma_start3A_4 : memref<5120x768xf32, #tpu.memory_space<hbm>>) offsets(%arg5 : memref<64xi32, #tpu.memory_space<vmem>>) semaphore(%arg7 : memref<!tpu.dma_semaphore, #tpu.memory_space<semaphore_mem>>)
    %dma_wait3A = arith.constant 0 : i32
    %dma_wait3A_5 = arith.constant 0 : i32
    %dma_wait3A_6 = tpu.memref_slice %arg4[%dma_wait3A, %dma_wait3A_5] : memref<5120x768xf32, #tpu.memory_space<hbm>> -> memref<5120x768xf32, #tpu.memory_space<hbm>>
    tpu.wait_indirect_dma semaphore(%arg7 : memref<!tpu.dma_semaphore, #tpu.memory_space<semaphore_mem>>) src(%arg6 : memref<64x768xf32, #tpu.memory_space<vmem>>) dst(%dma_wait3A_6 : memref<5120x768xf32, #tpu.memory_space<hbm>>)
    %run_scoped3A_7 = arith.constant 1 : i32
    "tpu.region"() ({
      %run_scoped3A_14 = tpu.sem_alloc : memref<!tpu.dma_semaphore, #tpu.memory_space<semaphore_mem>>
      %dma_start3A_15 = tpu.memref_slice %arg3[%run_scoped3A_7, %mul3A_2] : memref<2x2048xi32, #tpu.memory_space<hbm>> -> memref<1x64xi32, #tpu.memory_space<hbm>>
      %dma_start3A_16 = tpu.memref_squeeze %dma_start3A_15 : memref<1x64xi32, #tpu.memory_space<hbm>> -> memref<64xi32, #tpu.memory_space<hbm>>
      %dma_start3A_17 = tpu.memref_slice %arg3[%run_scoped3A_7, %mul3A_2] : memref<2x2048xi32, #tpu.memory_space<hbm>> -> memref<1x64xi32, #tpu.memory_space<hbm>>
      %dma_start3A_18 = tpu.memref_squeeze %dma_start3A_17 : memref<1x64xi32, #tpu.memory_space<hbm>> -> memref<64xi32, #tpu.memory_space<hbm>>
      tpu.enqueue_dma source(%dma_start3A_18 : memref<64xi32, #tpu.memory_space<hbm>>) target(%arg5 : memref<64xi32, #tpu.memory_space<vmem>>) target_semaphore(%run_scoped3A_14 : memref<!tpu.dma_semaphore, #tpu.memory_space<semaphore_mem>>)
      %dma_wait3A_19 = tpu.memref_slice %arg3[%run_scoped3A_7, %mul3A_2] : memref<2x2048xi32, #tpu.memory_space<hbm>> -> memref<1x64xi32, #tpu.memory_space<hbm>>
      %dma_wait3A_20 = tpu.memref_squeeze %dma_wait3A_19 : memref<1x64xi32, #tpu.memory_space<hbm>> -> memref<64xi32, #tpu.memory_space<hbm>>
      %dma_wait3A_21 = tpu.memref_slice %arg3[%run_scoped3A_7, %mul3A_2] : memref<2x2048xi32, #tpu.memory_space<hbm>> -> memref<1x64xi32, #tpu.memory_space<hbm>>
      %dma_wait3A_22 = tpu.memref_squeeze %dma_wait3A_21 : memref<1x64xi32, #tpu.memory_space<hbm>> -> memref<64xi32, #tpu.memory_space<hbm>>
      tpu.wait_dma2 semaphore(%run_scoped3A_14 : memref<!tpu.dma_semaphore, #tpu.memory_space<semaphore_mem>>) src(%dma_wait3A_22 : memref<64xi32, #tpu.memory_space<hbm>>) dst(%arg5 : memref<64xi32, #tpu.memory_space<vmem>>)
      tpu.yield
    }) : () -> ()
    %dma_start3A_8 = arith.constant 0 : i32
    %dma_start3A_9 = arith.constant 0 : i32
    %dma_start3A_10 = tpu.memref_slice %arg4[%dma_start3A_8, %dma_start3A_9] : memref<5120x768xf32, #tpu.memory_space<hbm>> -> memref<5120x768xf32, #tpu.memory_space<hbm>>
    tpu.enqueue_indirect_dma source(%arg6 : memref<64x768xf32, #tpu.memory_space<vmem>>) target(%dma_start3A_10 : memref<5120x768xf32, #tpu.memory_space<hbm>>) offsets(%arg5 : memref<64xi32, #tpu.memory_space<vmem>>) semaphore(%arg7 : memref<!tpu.dma_semaphore, #tpu.memory_space<semaphore_mem>>)
    %dma_wait3A_11 = arith.constant 0 : i32
    %dma_wait3A_12 = arith.constant 0 : i32
    %dma_wait3A_13 = tpu.memref_slice %arg4[%dma_wait3A_11, %dma_wait3A_12] : memref<5120x768xf32, #tpu.memory_space<hbm>> -> memref<5120x768xf32, #tpu.memory_space<hbm>>
    tpu.wait_indirect_dma semaphore(%arg7 : memref<!tpu.dma_semaphore, #tpu.memory_space<semaphore_mem>>) src(%arg6 : memref<64x768xf32, #tpu.memory_space<vmem>>) dst(%dma_wait3A_13 : memref<5120x768xf32, #tpu.memory_space<hbm>>)
    return
  }
}

</mosaic_0001>

<sc_bundles>
// kernel: _dispatch.3.cloned.1.call-start
scs
__scs_entry_jumppad:
0x0: {  	(pc) =	sbr.rel $0x88, $3  }
0x1: {  	(tag) =	ssettag $0x0;
	lr =	simm.s32 $0x1  }
0x2: {  	[smem:$0x3F9F] =	sst lr;
	_ =	strace $0xD0000000  }
0x3: {  	_ = 	snop  }
0x4: {  	_ = 	snop  }
0x5: {  	_ = 	snop  }
0x6: {  	_ = 	snop  }
0x7: {  	_ = 	snop  }
__scs_overlays_trampoline_lowered:
0x8: {  	[smem:$0x3FAE] =	sst s0  }
0x9: {  	[smem:$0x3FAF] =	sst s1  }
0xa: {  	[smem:$0x3FB0] =	sst s2  }
0xb: {  	[smem:$0x3FB1] =	sst s3  }
0xc: {  	[smem:$0x3FB2] =	sst s4  }
0xd: {  	[smem:$0x3FB3] =	sst s5  }
0xe: {  	[smem:$0x3FB4] =	sst s6  }
0xf: {  	[smem:$0x3FB5] =	sst s7  }
0x10: {  	[smem:$0x3FB6] =	sst s8  }
0x11: {  	[smem:$0x3FB7] =	sst s9;
	s0 =	simm.s32 @!p0 $0x0  }
0x12: {  	s1 =	sld [smem:$0x3F9D];
	s0 =	simm.s32 @p0 $0x1  }
0x13: {  	[smem:$0x3FB8] =	sst s0;
	s0 =	simm.s32 @!p1 $0x0  }
0x14: {  	s2 =	sld [smem:$0x3F9C];
	s0 =	simm.s32 @p1 $0x1  }
0x15: {  	[smem:$0x3FB9] =	sst s0;
	s0 =	simm.s32 @!p2 $0x0  }
0x16: {  	s3 =	sld [smem:$0x3FDB];
	s0 =	simm.s32 @p2 $0x1  }
0x17: {  	s4 =	simm.s32 $0x1BF5;
	[smem:$0x3FBB] =	sst s0  }
0x18: {  	s0 =	sld [smem:$0x3F9E];
	_ =	swait.ge [sflag:s4], $0x0  }
0x19: {  	s7 =	sld [smem:$0x3F9F]  }
0x1a: {  	s8 =	sadd.s32 $0xFFFFE003, lr  }
0x1b: {  	s9 =	sadd.s32 $0xFFFFFEF7, lr;
	s5 =	simm.s32 $0xFFFFFFFF;
	p2 =	slt.u32 s8, $0xFFFFF086  }
0x1c: {  	p1 =	slt.u32 s9, $0xF7A;
	s5 =	simm.s32 @!p2 $0x0  }
0x1d: {  	s5 =	simm.s32 @p1 $0x1;
	p0 =	seq.s32 s7, s2  }
0x1e: {  	s7 =	smul.u32 @!p0 $0xF7A, s2;
	p2 =	seq.s32 @!p0 s5, $0x0  }
0x1f: {  	s9 =	smul.u32 $0xF7A, s1;
	s8 =	simm.s32 @!p0 $0x1BF5;
	p2 =	por !p2, p0  }
0x20: {  	[sflag:s8] =	ssyncset.s32 @!p0 $0xFFFFF086;
	s6 =	sadd.s32 @!p0 s3, s7;
	s7 =	simm.s32 @!p0 $0x108  }
0x21: {  	s3 =	sadd.s32 s3, s9;
	s6 =	sadd.s32 @!p0 $0x88, s6;
	s7 =	simm.s32 @p2 $0x1082  }
0x22: {  	[simem:s7], [sflag:s8] =	dma.local @!p0 [hbm:s6], $0xF7A  }
0x23: {  	s9 =	sor.u32 $0xD0000000, s2;
	s6 =	simm.s32 $0x108;
	_ =	swait.ge @!p0 [sflag:s8], $0x0  }
0x24: {  	s3 =	sadd.s32 $0x88, s3;
	s6 =	simm.s32 @!p1 $0x1082;
	[sflag:s4] =	ssyncset.s32 $0xFFFFF086  }
0x25: {  	[simem:s6], [sflag:s4] =	dma.local [hbm:s3], $0xF7A  }
0x26: {  	[smem:$0x3F9F] =	sst s1;
	(tag) =	ssettag s2;
	_ =	strace s9  }
0x27: {  	s1 =	sld [smem:$0x3FAF]  }
0x28: {  	s2 =	sld [smem:$0x3FB0]  }
0x29: {  	s4 =	sld [smem:$0x3FB2]  }
0x2a: {  	p0 =	seq.s32 s5, $0x0;
	s5 =	sld [smem:$0x3FB3]  }
0x2b: {  	s6 =	sld [smem:$0x3FB4]  }
0x2c: {  	s7 =	sld [smem:$0x3FB5]  }
0x2d: {  	s3 =	simm.s32 $0x108;
	s8 =	sld [smem:$0x3FB6]  }
0x2e: {  	s3 =	simm.s32 @!p0 $0x1082;
	s9 =	sld [smem:$0x3FB7]  }
0x2f: {  	lr =	sadd.s32 s0, s3;
	s0 =	sld [smem:$0x3FAE]  }
0x30: {  	s3 =	sld [smem:$0x3FB1]  }
0x31: {  	[smem:$0x3FBA] =	sst s10  }
0x32: {  	s10 =	sld [smem:$0x3FB8];
	_ =	sdelay $0x3  }
0x33: {  	p0 =	seq.s32 s10, $0x1;
	s10 =	sld [smem:$0x3FBA];
	_ =	sdelay $0x3  }
0x34: {  	[smem:$0x3FBA] =	sst s10  }
0x35: {  	s10 =	sld [smem:$0x3FB9];
	_ =	sdelay $0x3  }
0x36: {  	p1 =	seq.s32 s10, $0x1;
	s10 =	sld [smem:$0x3FBA];
	_ =	sdelay $0x3  }
0x37: {  	[smem:$0x3FBA] =	sst s10  }
0x38: {  	s10 =	sld [smem:$0x3FBB]  }
0x39: {  	_ = 	snop;
	(pc) =	sbr.ind lr, $3  }
0x3a: {  	_ = 	snop  }
0x3b: {  	_ = 	snop  }
0x3c: {  	p2 =	seq.s32 s10, $0x1;
	s10 =	sld [smem:$0x3FBA]  }
0x3d: {  	_ =	shalt  }
0x3e: {  	_ =	shalt  }
0x3f: {  	_ =	shalt  }
0x40: {  	_ =	shalt  }
0x41: {  	_ =	shalt  }
0x42: {  	_ =	shalt  }
0x43: {  	_ =	shalt  }
0x44: {  	_ =	shalt  }
0x45: {  	_ =	shalt  }
0x46: {  	_ =	shalt  }
0x47: {  	_ =	shalt  }
0x48: {  	_ =	shalt  }
0x49: {  	_ =	shalt  }
0x4a: {  	_ =	shalt  }
0x4b: {  	_ =	shalt  }
0x4c: {  	_ =	shalt  }
0x4d: {  	_ =	shalt  }
0x4e: {  	_ =	shalt  }
0x4f: {  	_ =	shalt  }
0x50: {  	_ =	shalt  }
0x51: {  	_ =	shalt  }
0x52: {  	_ =	shalt  }
0x53: {  	_ =	shalt  }
0x54: {  	_ =	shalt  }
0x55: {  	_ =	shalt  }
0x56: {  	_ =	shalt  }
0x57: {  	_ =	shalt  }
0x58: {  	_ =	shalt  }
0x59: {  	_ =	shalt  }
0x5a: {  	_ =	shalt  }
0x5b: {  	_ =	shalt  }
0x5c: {  	_ =	shalt  }
0x5d: {  	_ =	shalt  }
0x5e: {  	_ =	shalt  }
0x5f: {  	_ =	shalt  }
0x60: {  	_ =	shalt  }
0x61: {  	_ =	shalt  }
0x62: {  	_ =	shalt  }
0x63: {  	_ =	shalt  }
0x64: {  	_ =	shalt  }
0x65: {  	_ =	shalt  }
0x66: {  	_ =	shalt  }
0x67: {  	_ =	shalt  }
0x68: {  	_ =	shalt  }
0x69: {  	_ =	shalt  }
0x6a: {  	_ =	shalt  }
0x6b: {  	_ =	shalt  }
0x6c: {  	_ =	shalt  }
0x6d: {  	_ =	shalt  }
0x6e: {  	_ =	shalt  }
0x6f: {  	_ =	shalt  }
0x70: {  	_ =	shalt  }
0x71: {  	_ =	shalt  }
0x72: {  	_ =	shalt  }
0x73: {  	_ =	shalt  }
0x74: {  	_ =	shalt  }
0x75: {  	_ =	shalt  }
0x76: {  	_ =	shalt  }
0x77: {  	_ =	shalt  }
0x78: {  	_ =	shalt  }
0x79: {  	_ =	shalt  }
0x7a: {  	_ =	shalt  }
0x7b: {  	_ =	shalt  }
0x7c: {  	_ =	shalt  }
0x7d: {  	_ =	shalt  }
0x7e: {  	_ =	shalt  }
0x7f: {  	_ =	shalt  }
0x80: {  	_ =	shalt  }
0x81: {  	_ =	shalt  }
0x82: {  	_ =	shalt  }
0x83: {  	_ =	shalt  }
0x84: {  	_ =	shalt  }
0x85: {  	_ =	shalt  }
0x86: {  	_ =	shalt  }
0x87: {  	_ =	shalt  }
.Lfunc_end0:
.L_simem_size_0:
called_computation_lowered:
.L_overlay_start_0:
0x88: {  	s2 =	sld [smem:$0x3FD9]  }
0x89: {  	s3 =	sld [smem:$0x3FFE];
	_ =	sdelay $0x1  }
0x8a: {  	s1 =	srdreg.scid  }
0x8b: {  	s0 =	sand.u32 $0x1, s1  }
0x8c: {  	s18 =	sshll.u32 s0, $0xA;
	s2 =	sadd.s32 s3, s2  }
0x8d: {  	s2 =	sadd.s32 s2, s18  }
0x8e: {  	[smem:$0x3FC6] =	sst s2  }
0x8f: {  	_ = 	snop  }
0x90: {  	s2 =	sld [smem:$0x3FC9]  }
0x91: {  	s19 =	sld [smem:$0x3FC8]  }
0x92: {  	s4 =	sld [smem:$0x3FD0];
	(tm) =	ssettm $0x1  }
0x93: {  	s5 =	sld [smem:$0x3FFB];
	_ =	sdelay $0x3  }
0x94: {  	_ =	strace s5  }
0x95: {  	s5 =	sld [smem:$0x3FFC];
	_ =	sdelay $0x3  }
0x96: {  	_ =	strace s5  }
0x97: {  	s5 =	sld [smem:$0x3FFD];
	_ =	sdelay $0x3  }
0x98: {  	_ =	strace s5  }
0x99: {  	_ =	strace $0x8FFFFFFF  }
0x9a: {  	s20 =	sld [smem:$0x3FDB];
	_ =	sdelay $0x1  }
0x9b: {  	s6 =	simm.s32 $_scs_section_size  }
0x9c: {  	s7 =	simm.s32 $_size__tile_overlayer_lowered;
	s8 =	simm.s32 $_tile_overlayer_lowered  }
0x9d: {  	s23 =	simm.s32 $0x1BFF;
	s22 =	sshll.u32 s8, $0x1;
	s5 =	sadd.s32 s6, s20  }
0x9e: {  	s9 =	simm.s32 $0x0;
	s21 =	sshll.u32 s7, $0x1;
	s7 =	sadd.s32 s22, s5  }
0x9f: {  	[timem:s9], [sflag:s23] =	dma.local [hbm:s7], s21  }
0xa0: {  	_ =	swait.ge [sflag:s23], s21  }
0xa1: {  	s6 =	ssub.s32 $0x0, s21;
	[sflag:s23] =	ssyncset.done $0x0  }
0xa2: {  	[sflag:s23] =	ssyncadd.s32 s6;
	_ =	sdelay $0x1  }
0xa3: {  	s24 =	simm.s32 $0x1B8B  }
0xa4: {  	_ =	swait.ge [sflag:s24], $0x1  }
0xa5: {  	[sflag:s24] =	ssyncset.done $0x0  }
0xa6: {  	s25 =	simm.s32 $0x1B8E;
	[sflag:s24] =	ssyncadd.s32 $0xFFFFFFFF  }
0xa7: {  	s26 =	simm.s32 $execute0_lowered;
	[smem:$0x3FD2] =	sst s25  }
0xa8: {  	s6 =	sshll.u32 s26, $0x1;
	_ =	strace $0x80000046;
	[dreg:$0x1] =	wrdreg $0xFFFFFFFF  }
0xa9: {  	s28 =	simm.s32 $_size_execute0_lowered;
	s5 =	sadd.s32 s5, s6;
	[dreg:$0x0] =	wrdreg $0x0  }
0xaa: {  	s6 =	sshll.u32 s28, $0x1;
	[dreg:$0x2] =	wrdreg s5  }
0xab: {  	[dreg:$0x3] =	wrdreg s6  }
0xac: {  	[dreg:$0x4] =	wrdreg $0xC0  }
0xad: {  	_ =	task [dreg:s9], $0x5FFFF  }
0xae: {  	[dreg:$0x1] =	wrdreg $0xFFFFFFFF  }
0xaf: {  	[dreg:$0x0] =	wrdreg $0x60  }
0xb0: {  	[dreg:$0x2] =	wrdreg s2  }
0xb1: {  	[dreg:$0x3] =	wrdreg s19  }
0xb2: {  	[dreg:$0x4] =	wrdreg s4  }
0xb3: {  	[dreg:$0x5] =	wrdreg $0x9  }
0xb4: {  	_ =	task.clear_ibuf [dreg:s9], $0x6FFFF;
	_ =	strace $0x90000046  }
0xb5: {  	s29 =	simm.s32 $0x9;
	_ =	strace $0x80000048  }
0xb6: {  	_ =	swait.ge [sflag:s29], $0x1  }
0xb7: {  	[sflag:s29] =	ssyncadd.s32 $0xFFFFFFFF  }
0xb8: {  	_ =	strace $0x90000048  }
0xb9: {  	_ =	sfence  }
0xba: {  	s30 =	sld [smem:$0x0];
	_ =	sdelay $0x2  }
0xbb: {  	s31 =	sshll.u32 s1, $0xD;
	s1 =	sshrl.u32 s1, $0x2  }
0xbc: {  	s3 =	sand.u32 $0x4000, s31;
	s1 =	sadd.s32 s1, s30  }
0xbd: {  	s0 =	sor.u32 s3, s0;
	s1 =	sshll.u32 s1, $0x11  }
0xbe: {  	s0 =	sor.u32 s1, s0  }
0xbf: {  	s0 =	sadd.s32 $0x8F2B, s0  }
0xc0: {  	[sflag:s0] =	ssyncadd.remote.s32 $0x1  }
0xc1: {  	_ =	sfence.sel $0xFFFF  }
0xc2: {  	[dreg:$0x0] =	wrdreg $0xFFFFFFFF;
	(pc) =	sbr.abs _section_cstart, $3  }
0xc3: {  	[dreg:$0x1] =	wrdreg $0xFFFFFFFF  }
0xc4: {  	_ =	task.clear_ibuf [dreg:s9], $0x2FFFF;
	_ =	strace $0x9FFFFFFF  }
0xc5: {  	(tm) =	ssettm $0x7FFFFFFF  }
tec
execute0_lowered:
.L_overlay_start_1:
0x0: {  	(tag) =	ssettag $0x1  }
0x1: {  	s0 =	rddreg [dreg:$0x0]  }
0x2: {  	s1 =	rddreg [dreg:$0x1]  }
0x3: {  	s2 =	rddreg [dreg:$0x2]  }
0x4: {  	s3 =	srdreg.scid;
	s5 =	stileid.u32  }
0x5: {  	s10 =	simm.s32 $0x880;
	s11 =	simm.s32 $0x1080;
	s12 =	simm.s32 $0x1880  }
0x6: {  	s13 =	simm.s32 $0x2080;
	s14 =	simm.s32 $0x2880;
	s15 =	simm.s32 $0x3080  }
0x7: {  	s16 =	simm.s32 $0x3880;
	s17 =	simm.s32 $0x4080;
	s18 =	simm.s32 $0x4880  }
0x8: {  	s19 =	simm.s32 $0x5080;
	s20 =	simm.s32 $0x5880;
	s21 =	simm.s32 $0x6080  }
0x9: {  	s22 =	simm.s32 $0x6880;
	s28 =	simm.s32 $0x9080;
	s29 =	simm.s32 $0x9880  }
0xa: {  	s30 =	simm.s32 $0xA080;
	s31 =	simm.s32 $0xA880;
	s4 =	sand.u32 $0x1, s3  }
0xb: {  	s3 =	simm.s32 $0x0;
	s5 =	sshll.u32 s5, $0x7;
	s6 =	sshll.u32 s4, $0x6  }
0xc: {  	[smem:$0x7FF] =	sst s3;
	s4 =	ssub.s32 $0x2, s4;
	s5 =	sor.u32 s6, s5  }
0xd: {  	_ =	strace $0x80000047;
	s9 =	sshrl.u32 s4, $0x1;
	s7 =	sshrl.u32 s5, $0x3  }
0xe: {  	s5 =	sshll.u32 s5, $0x1;
	s25 =	ssub.s32 s4, s9;
	s4 =	sadd.s32 $0x100, s2  }
0xf: {  	s7 =	smul.u32 $0x300, s7;
	s8 =	sand.u32 $0xF00, s5;
	s5 =	sor.u32 s6, s5  }
0x10: {  	s8 =	sor.u32 s6, s8;
	s5 =	sshrl.u32 s5, $0x3;
	s6 =	smax.u32 s25, $0x1  }
0x11: {  	s25 =	simm.s32 $0x8080;
	s0 =	sadd.s32 s0, s7;
	s23 =	sshrl.u32 s8, $0x3  }
0x12: {  	s5 =	sor.u32 $0x10, s5;
	s8 =	simm.s32 $0x2;
	[dreg:$0x4] =	wrdreg s0  }
0x13: {  	v2 =	vlaneseq.u32;
	s24 =	sadd.s32 s1, s23;
	s26 =	sadd.s32 s1, s5;
	s5 =	sadd.s32 $0x200, s2  }
0x14: {  	vm0 =	vmmov $0xffff;
	v1 =	vshrl.u32 v2, $0x3;
	s1 =	simm.s32 $0x1;
	s23 =	simm.s32 $0x7080;
	[dreg:$0x5] =	wrdreg s24  }
0x15: {  	v0 =	vand.u32 $0x7, v2;
	v2 =	vor.u32 $0x8, v2;
	v1 =	vmul.u32 $0x8, v1;
	[dreg:$0x6] =	wrdreg s26;
	s24 =	simm.s32 $0x7880;
	s26 =	simm.s32 $0x8880  }
.LBB2_1:
0x16: {  	s9 =	rddreg [dreg:$0x4];
	s0 =	simm.s32 $0x80  }
0x17: {  	[tilespmem:s0], [sflag:$0x2] =	stream.linear.gather [hbm4b:s9+s3], $0xC000, $0x38;
	[tilespmem:$0xC080] =	vst v63  }
0x18: {  	_ =	swait.ge [sflag:s8], $0xC000  }
0x19: {  	[sflag:s8] =	ssyncset.done $0x0  }
0x1a: {  	s7 =	rddreg [dreg:$0x5];
	[sflag:s8] =	ssyncadd.s32 $0xFFFF4000  }
0x1b: {  	[tilespmem:s3], [sflag:$0x2] =	stream.linear.gather [hbm4b:s7+s3], $0x40, $0x38;
	[tilespmem:$0xC080] =	vst v63  }
0x1c: {  	_ =	swait.ge [sflag:s8], $0x40  }
0x1d: {  	[sflag:s8] =	ssyncset.done $0x0  }
0x1e: {  	[sflag:s8] =	ssyncadd.s32 $0xFFFFFFC0  }
0x1f: {  	v3 =	vld [tilespmem:$0x0];
	_ =	sdelay $0x4  }
0x20: {  	v4 =	vshrl.u32 v3, $0x3  }
0x21: {  	v4 =	vmul.u32 $0x30, v4  }
0x22: {  	v3 =	vand.u32 $0x7, v3  }
0x23: {  	v3 =	vor.u32 v3, v4  }
0x24: {  	v4 =	vperm.xlane v3, v0;
	_ =	sdelay $0x1  }
0x25: {  	v4 =	vadd.s32 v1, v4;
	_ =	sdelay $0x3  }
0x26: {  	v3 =	vperm.xlane v3, v2  }
0x27: {  	[hbm4b:s2+s3] =	stream.indirect_vreg.scatter [tilespmem:s0], [sflag:$0x1], $0x80, v4, vm0, $0xb8;
	[tilespmem:$0xC080] =	vst v63  }
0x28: {  	v3 =	vadd.s32 v1, v3  }
0x29: {  	[hbm4b:s4+s3] =	stream.indirect_vreg.scatter [tilespmem:s10], [sflag:$0x1], $0x80, v4, vm0, $0xb8;
	[tilespmem:$0xC080] =	vst v63  }
0x2a: {  	_ = 	snop  }
0x2b: {  	[hbm4b:s5+s3] =	stream.indirect_vreg.scatter [tilespmem:s11], [sflag:$0x1], $0x80, v4, vm0, $0xb8;
	[tilespmem:$0xC080] =	vst v63  }
0x2c: {  	_ = 	snop  }
0x2d: {  	[hbm4b:s2+s3] =	stream.indirect_vreg.scatter [tilespmem:s12], [sflag:$0x1], $0x80, v3, vm0, $0xb8;
	[tilespmem:$0xC080] =	vst v63  }
0x2e: {  	_ = 	snop  }
0x2f: {  	[hbm4b:s4+s3] =	stream.indirect_vreg.scatter [tilespmem:s13], [sflag:$0x1], $0x80, v3, vm0, $0xb8;
	[tilespmem:$0xC080] =	vst v63  }
0x30: {  	_ = 	snop  }
0x31: {  	[hbm4b:s5+s3] =	stream.indirect_vreg.scatter [tilespmem:s14], [sflag:$0x1], $0x80, v3, vm0, $0xb8;
	[tilespmem:$0xC080] =	vst v63  }
0x32: {  	v3 =	vld [tilespmem:$0x10];
	_ =	sdelay $0x4  }
0x33: {  	v57 =	vshrl.u32 v3, $0x3  }
0x34: {  	v4 =	vmul.u32 $0x30, v57  }
0x35: {  	v3 =	vand.u32 $0x7, v3  }
0x36: {  	v3 =	vor.u32 v3, v4  }
0x37: {  	v4 =	vperm.xlane v3, v0;
	_ =	sdelay $0x1  }
0x38: {  	v4 =	vadd.s32 v1, v4;
	_ =	sdelay $0x3  }
0x39: {  	v3 =	vperm.xlane v3, v2  }
0x3a: {  	[hbm4b:s2+s3] =	stream.indirect_vreg.scatter [tilespmem:s15], [sflag:$0x1], $0x80, v4, vm0, $0xb8;
	[tilespmem:$0xC080] =	vst v63  }
0x3b: {  	v3 =	vadd.s32 v1, v3  }
0x3c: {  	[hbm4b:s4+s3] =	stream.indirect_vreg.scatter [tilespmem:s16], [sflag:$0x1], $0x80, v4, vm0, $0xb8;
	[tilespmem:$0xC080] =	vst v63  }
0x3d: {  	_ = 	snop  }
0x3e: {  	[hbm4b:s5+s3] =	stream.indirect_vreg.scatter [tilespmem:s17], [sflag:$0x1], $0x80, v4, vm0, $0xb8;
	[tilespmem:$0xC080] =	vst v63  }
0x3f: {  	_ = 	snop  }
0x40: {  	[hbm4b:s2+s3] =	stream.indirect_vreg.scatter [tilespmem:s18], [sflag:$0x1], $0x80, v3, vm0, $0xb8;
	[tilespmem:$0xC080] =	vst v63  }
0x41: {  	_ = 	snop  }
0x42: {  	[hbm4b:s4+s3] =	stream.indirect_vreg.scatter [tilespmem:s19], [sflag:$0x1], $0x80, v3, vm0, $0xb8;
	[tilespmem:$0xC080] =	vst v63  }
0x43: {  	_ = 	snop  }
0x44: {  	[hbm4b:s5+s3] =	stream.indirect_vreg.scatter [tilespmem:s20], [sflag:$0x1], $0x80, v3, vm0, $0xb8;
	[tilespmem:$0xC080] =	vst v63  }
0x45: {  	v3 =	vld [tilespmem:$0x20];
	_ =	sdelay $0x4  }
0x46: {  	v58 =	vshrl.u32 v3, $0x3  }
0x47: {  	v4 =	vmul.u32 $0x30, v58  }
0x48: {  	v3 =	vand.u32 $0x7, v3  }
0x49: {  	v3 =	vor.u32 v3, v4  }
0x4a: {  	v4 =	vperm.xlane v3, v0;
	_ =	sdelay $0x1  }
0x4b: {  	v4 =	vadd.s32 v1, v4;
	_ =	sdelay $0x3  }
0x4c: {  	v3 =	vperm.xlane v3, v2  }
0x4d: {  	[hbm4b:s2+s3] =	stream.indirect_vreg.scatter [tilespmem:s21], [sflag:$0x1], $0x80, v4, vm0, $0xb8;
	[tilespmem:$0xC080] =	vst v63  }
0x4e: {  	v3 =	vadd.s32 v1, v3  }
0x4f: {  	[hbm4b:s4+s3] =	stream.indirect_vreg.scatter [tilespmem:s22], [sflag:$0x1], $0x80, v4, vm0, $0xb8;
	[tilespmem:$0xC080] =	vst v63  }
0x50: {  	_ = 	snop  }
0x51: {  	[hbm4b:s5+s3] =	stream.indirect_vreg.scatter [tilespmem:s23], [sflag:$0x1], $0x80, v4, vm0, $0xb8;
	[tilespmem:$0xC080] =	vst v63  }
0x52: {  	_ = 	snop  }
0x53: {  	[hbm4b:s2+s3] =	stream.indirect_vreg.scatter [tilespmem:s24], [sflag:$0x1], $0x80, v3, vm0, $0xb8;
	[tilespmem:$0xC080] =	vst v63  }
0x54: {  	_ = 	snop  }
0x55: {  	[hbm4b:s4+s3] =	stream.indirect_vreg.scatter [tilespmem:s25], [sflag:$0x1], $0x80, v3, vm0, $0xb8;
	[tilespmem:$0xC080] =	vst v63  }
0x56: {  	_ = 	snop  }
0x57: {  	[hbm4b:s5+s3] =	stream.indirect_vreg.scatter [tilespmem:s26], [sflag:$0x1], $0x80, v3, vm0, $0xb8;
	[tilespmem:$0xC080] =	vst v63  }
0x58: {  	v3 =	vld [tilespmem:$0x30];
	_ =	sdelay $0x4  }
0x59: {  	v59 =	vshrl.u32 v3, $0x3  }
0x5a: {  	v4 =	vmul.u32 $0x30, v59  }
0x5b: {  	v3 =	vand.u32 $0x7, v3  }
0x5c: {  	v3 =	vor.u32 v3, v4  }
0x5d: {  	v4 =	vperm.xlane v3, v0;
	_ =	sdelay $0x1  }
0x5e: {  	v4 =	vadd.s32 v1, v4;
	_ =	sdelay $0x3  }
0x5f: {  	v3 =	vperm.xlane v3, v2  }
0x60: {  	[hbm4b:s2+s3] =	stream.indirect_vreg.scatter [tilespmem:s28], [sflag:$0x1], $0x80, v4, vm0, $0xb8;
	[tilespmem:$0xC080] =	vst v63  }
0x61: {  	v3 =	vadd.s32 v1, v3  }
0x62: {  	[hbm4b:s4+s3] =	stream.indirect_vreg.scatter [tilespmem:s29], [sflag:$0x1], $0x80, v4, vm0, $0xb8;
	[tilespmem:$0xC080] =	vst v63  }
0x63: {  	_ = 	snop  }
0x64: {  	[hbm4b:s5+s3] =	stream.indirect_vreg.scatter [tilespmem:s30], [sflag:$0x1], $0x80, v4, vm0, $0xb8;
	[tilespmem:$0xC080] =	vst v63  }
0x65: {  	_ = 	snop  }
0x66: {  	[hbm4b:s2+s3] =	stream.indirect_vreg.scatter [tilespmem:s31], [sflag:$0x1], $0x80, v3, vm0, $0xb8;
	[tilespmem:$0xC080] =	vst v63  }
0x67: {  	s7 =	simm.s32 $0xB080  }
0x68: {  	[hbm4b:s4+s3] =	stream.indirect_vreg.scatter [tilespmem:s7], [sflag:$0x1], $0x80, v3, vm0, $0xb8;
	[tilespmem:$0xC080] =	vst v63  }
0x69: {  	s7 =	simm.s32 $0xB880  }
0x6a: {  	[hbm4b:s5+s3] =	stream.indirect_vreg.scatter [tilespmem:s7], [sflag:$0x1], $0x80, v3, vm0, $0xb8;
	[tilespmem:$0xC080] =	vst v63  }
0x6b: {  	_ =	swait.ge [sflag:s1], $0xC000  }
0x6c: {  	[sflag:s1] =	ssyncset.done $0x0  }
0x6d: {  	s9 =	rddreg [dreg:$0x6];
	[sflag:s1] =	ssyncadd.s32 $0xFFFF4000  }
0x6e: {  	[tilespmem:s3], [sflag:$0x2] =	stream.linear.gather [hbm4b:s9+s3], $0x40, $0x38;
	[tilespmem:$0xC080] =	vst v63  }
0x6f: {  	_ =	swait.ge [sflag:s8], $0x40  }
0x70: {  	[sflag:s8] =	ssyncset.done $0x0  }
0x71: {  	[sflag:s8] =	ssyncadd.s32 $0xFFFFFFC0  }
0x72: {  	v3 =	vld [tilespmem:$0x0];
	_ =	sdelay $0x4  }
0x73: {  	v60 =	vshrl.u32 v3, $0x3  }
0x74: {  	v4 =	vmul.u32 $0x30, v60  }
0x75: {  	v3 =	vand.u32 $0x7, v3  }
0x76: {  	v3 =	vor.u32 v3, v4  }
0x77: {  	v4 =	vperm.xlane v3, v0;
	_ =	sdelay $0x1  }
0x78: {  	v4 =	vadd.s32 v1, v4;
	_ =	sdelay $0x3  }
0x79: {  	v3 =	vperm.xlane v3, v2  }
0x7a: {  	[hbm4b:s2+s3] =	stream.indirect_vreg.scatter [tilespmem:s0], [sflag:$0x1], $0x80, v4, vm0, $0xb8;
	[tilespmem:$0xC080] =	vst v63  }
0x7b: {  	v3 =	vadd.s32 v1, v3  }
0x7c: {  	[hbm4b:s4+s3] =	stream.indirect_vreg.scatter [tilespmem:s10], [sflag:$0x1], $0x80, v4, vm0, $0xb8;
	[tilespmem:$0xC080] =	vst v63  }
0x7d: {  	_ = 	snop  }
0x7e: {  	[hbm4b:s5+s3] =	stream.indirect_vreg.scatter [tilespmem:s11], [sflag:$0x1], $0x80, v4, vm0, $0xb8;
	[tilespmem:$0xC080] =	vst v63  }
0x7f: {  	_ = 	snop  }
0x80: {  	[hbm4b:s2+s3] =	stream.indirect_vreg.scatter [tilespmem:s12], [sflag:$0x1], $0x80, v3, vm0, $0xb8;
	[tilespmem:$0xC080] =	vst v63  }
0x81: {  	_ = 	snop  }
0x82: {  	[hbm4b:s4+s3] =	stream.indirect_vreg.scatter [tilespmem:s13], [sflag:$0x1], $0x80, v3, vm0, $0xb8;
	[tilespmem:$0xC080] =	vst v63  }
0x83: {  	_ = 	snop  }
0x84: {  	[hbm4b:s5+s3] =	stream.indirect_vreg.scatter [tilespmem:s14], [sflag:$0x1], $0x80, v3, vm0, $0xb8;
	[tilespmem:$0xC080] =	vst v63  }
0x85: {  	v3 =	vld [tilespmem:$0x10];
	_ =	sdelay $0x4  }
0x86: {  	v61 =	vshrl.u32 v3, $0x3  }
0x87: {  	v4 =	vmul.u32 $0x30, v61  }
0x88: {  	v3 =	vand.u32 $0x7, v3  }
0x89: {  	v3 =	vor.u32 v3, v4  }
0x8a: {  	v4 =	vperm.xlane v3, v0;
	_ =	sdelay $0x1  }
0x8b: {  	v4 =	vadd.s32 v1, v4;
	_ =	sdelay $0x3  }
0x8c: {  	v3 =	vperm.xlane v3, v2  }
0x8d: {  	[hbm4b:s2+s3] =	stream.indirect_vreg.scatter [tilespmem:s15], [sflag:$0x1], $0x80, v4, vm0, $0xb8;
	[tilespmem:$0xC080] =	vst v63  }
0x8e: {  	v3 =	vadd.s32 v1, v3  }
0x8f: {  	[hbm4b:s4+s3] =	stream.indirect_vreg.scatter [tilespmem:s16], [sflag:$0x1], $0x80, v4, vm0, $0xb8;
	[tilespmem:$0xC080] =	vst v63  }
0x90: {  	_ = 	snop  }
0x91: {  	[hbm4b:s5+s3] =	stream.indirect_vreg.scatter [tilespmem:s17], [sflag:$0x1], $0x80, v4, vm0, $0xb8;
	[tilespmem:$0xC080] =	vst v63  }
0x92: {  	_ = 	snop  }
0x93: {  	[hbm4b:s2+s3] =	stream.indirect_vreg.scatter [tilespmem:s18], [sflag:$0x1], $0x80, v3, vm0, $0xb8;
	[tilespmem:$0xC080] =	vst v63  }
0x94: {  	_ = 	snop  }
0x95: {  	[hbm4b:s4+s3] =	stream.indirect_vreg.scatter [tilespmem:s19], [sflag:$0x1], $0x80, v3, vm0, $0xb8;
	[tilespmem:$0xC080] =	vst v63  }
0x96: {  	_ = 	snop  }
0x97: {  	[hbm4b:s5+s3] =	stream.indirect_vreg.scatter [tilespmem:s20], [sflag:$0x1], $0x80, v3, vm0, $0xb8;
	[tilespmem:$0xC080] =	vst v63  }
0x98: {  	v3 =	vld [tilespmem:$0x20];
	_ =	sdelay $0x4  }
0x99: {  	v62 =	vshrl.u32 v3, $0x3  }
0x9a: {  	v4 =	vmul.u32 $0x30, v62  }
0x9b: {  	v3 =	vand.u32 $0x7, v3  }
0x9c: {  	v3 =	vor.u32 v3, v4  }
0x9d: {  	v4 =	vperm.xlane v3, v0;
	_ =	sdelay $0x1  }
0x9e: {  	v4 =	vadd.s32 v1, v4;
	_ =	sdelay $0x3  }
0x9f: {  	v3 =	vperm.xlane v3, v2  }
0xa0: {  	[hbm4b:s2+s3] =	stream.indirect_vreg.scatter [tilespmem:s21], [sflag:$0x1], $0x80, v4, vm0, $0xb8;
	[tilespmem:$0xC080] =	vst v63  }
0xa1: {  	v3 =	vadd.s32 v1, v3  }
0xa2: {  	[hbm4b:s4+s3] =	stream.indirect_vreg.scatter [tilespmem:s22], [sflag:$0x1], $0x80, v4, vm0, $0xb8;
	[tilespmem:$0xC080] =	vst v63  }
0xa3: {  	_ = 	snop  }
0xa4: {  	[hbm4b:s5+s3] =	stream.indirect_vreg.scatter [tilespmem:s23], [sflag:$0x1], $0x80, v4, vm0, $0xb8;
	[tilespmem:$0xC080] =	vst v63  }
0xa5: {  	_ = 	snop  }
0xa6: {  	[hbm4b:s2+s3] =	stream.indirect_vreg.scatter [tilespmem:s24], [sflag:$0x1], $0x80, v3, vm0, $0xb8;
	[tilespmem:$0xC080] =	vst v63  }
0xa7: {  	_ = 	snop  }
0xa8: {  	[hbm4b:s4+s3] =	stream.indirect_vreg.scatter [tilespmem:s25], [sflag:$0x1], $0x80, v3, vm0, $0xb8;
	[tilespmem:$0xC080] =	vst v63  }
0xa9: {  	_ = 	snop  }
0xaa: {  	[hbm4b:s5+s3] =	stream.indirect_vreg.scatter [tilespmem:s26], [sflag:$0x1], $0x80, v3, vm0, $0xb8;
	[tilespmem:$0xC080] =	vst v63  }
0xab: {  	v3 =	vld [tilespmem:$0x30];
	_ =	sdelay $0x4  }
0xac: {  	v63 =	vshrl.u32 v3, $0x3  }
0xad: {  	v4 =	vmul.u32 $0x30, v63  }
0xae: {  	v3 =	vand.u32 $0x7, v3  }
0xaf: {  	v3 =	vor.u32 v3, v4  }
0xb0: {  	v4 =	vperm.xlane v3, v0;
	_ =	sdelay $0x1  }
0xb1: {  	v4 =	vadd.s32 v1, v4;
	_ =	sdelay $0x3  }
0xb2: {  	v3 =	vperm.xlane v3, v2  }
0xb3: {  	[hbm4b:s2+s3] =	stream.indirect_vreg.scatter [tilespmem:s28], [sflag:$0x1], $0x80, v4, vm0, $0xb8;
	[tilespmem:$0xC080] =	vst v63  }
0xb4: {  	v3 =	vadd.s32 v1, v3  }
0xb5: {  	[hbm4b:s4+s3] =	stream.indirect_vreg.scatter [tilespmem:s29], [sflag:$0x1], $0x80, v4, vm0, $0xb8;
	[tilespmem:$0xC080] =	vst v63  }
0xb6: {  	_ = 	snop  }
0xb7: {  	[hbm4b:s5+s3] =	stream.indirect_vreg.scatter [tilespmem:s30], [sflag:$0x1], $0x80, v4, vm0, $0xb8;
	[tilespmem:$0xC080] =	vst v63  }
0xb8: {  	_ = 	snop  }
0xb9: {  	[hbm4b:s2+s3] =	stream.indirect_vreg.scatter [tilespmem:s31], [sflag:$0x1], $0x80, v3, vm0, $0xb8;
	[tilespmem:$0xC080] =	vst v63  }
0xba: {  	p0 =	sne.s32 s6, $0x1;
	s9 =	simm.s32 $0xB080  }
0xbb: {  	[hbm4b:s4+s3] =	stream.indirect_vreg.scatter [tilespmem:s9], [sflag:$0x1], $0x80, v3, vm0, $0xb8;
	[tilespmem:$0xC080] =	vst v63  }
.Ltmp0:
0xbc: {  	_ = 	snop;
	(pc) =	sbr.rel @p0 .LBB2_1-.Ltmp0, $4  }
0xbd: {  	[hbm4b:s5+s3] =	stream.indirect_vreg.scatter [tilespmem:s7], [sflag:$0x1], $0x80, v3, vm0, $0xb8;
	[tilespmem:$0xC080] =	vst v63  }
0xbe: {  	_ =	swait.ge [sflag:s1], $0xC000  }
0xbf: {  	[sflag:s1] =	ssyncset.done $0x0  }
0xc0: {  	s6 =	sadd.s32 $0xFFFFFFFF, s6;
	[sflag:s1] =	ssyncadd.s32 $0xFFFF4000  }
0xc1: {  	_ =	sfence.sel $0x180000  }
0xc2: {  	[bflag:$0x0] =	sbarrier.arrive $0xFFFF  }
0xc3: {  	_ =	strace $0x90000047  }
0xc4: {  	s0 =	stileid.u32;
	[bflag:$0x2] =	sbarrier.arrive $0xFFFF  }
0xc5: {  	p0 =	sne.s32 s0, $0x0;
	s0 =	rddreg [dreg:$0x3]  }
0xc6: {  	s0 =	sadd.s32 @!p0 $0x100000, s0  }
0xc7: {  	[sflag:s0] =	ssyncadd.tile.s32 @!p0 $0x1;
	_ =	shalt  }
.Lfunc_end2:
_tile_overlayer_lowered:
.L_overlay_start_2:
0xc8: {  	(tag) =	ssettag $0x2  }
0xc9: {  	s0 =	rddreg [dreg:$0x0];
	s2 =	stileid.u32  }
0xca: {  	s1 =	rddreg [dreg:$0x1];
	p0 =	sne.s32 s2, $0x0  }
0xcb: {  	s3 =	rddreg [dreg:$0x2];
	[bflag:$0x3] =	sbarrier.arrive $0xFFFF;
	s2 =	simm.s32 @!p0 $0x1C02  }
0xcc: {  	[timem:s3], [sflag:s2] =	dma.local @!p0 [hbm:s0], s1  }
0xcd: {  	s0 =	simm.s32 @!p0 $0x2  }
0xce: {  	_ =	swait.ge @!p0 [sflag:s0], s1  }
0xcf: {  	s1 =	ssub.s32 @!p0 $0x0, s1;
	[sflag:s0] =	ssyncset.done @!p0 $0x0  }
0xd0: {  	[sflag:s0] =	ssyncadd.s32 @!p0 s1  }
0xd1: {  	[bflag:$0x3] =	sbarrier.arrive $0xFFFF  }
0xd2: {  	_ =	shalt  }

</sc_bundles>
